<compile_context>
chip_gen: v7x
topology: tpu7x:2x2x1
jax: 0.10.2.dev20260603
libtpu: 0.0.44.dev20260713+nightly
codegen_flags: <defaults>
</compile_context>

<pallas_src>
import jax
import jax.numpy as jnp
import numpy as np
from jax.experimental import pallas as pl
from jax.experimental.pallas import tpu as pltpu

_NB_SYMB = 14
_FFT = 4096
_SPACING = 4
_NPIL = _FFT // _SPACING
_BBLK = 16
_KCHUNK = 512
_NK = _FFT // _KCHUNK
_XW = 256
_QPC = _KCHUNK // _SPACING


def _freq_interp_blocks() -> np.ndarray:
    e = np.zeros((_NPIL, _FFT), np.float32)
    for k in range(_FFT):
        q = k // _SPACING
        if q >= _NPIL - 1:
            e[_NPIL - 1, k] = 1.0
        else:
            w = (k % _SPACING) / _SPACING
            e[q, k] = 1.0 - w
            e[q + 1, k] = w
    blocks = np.zeros((_NK, _XW, _KCHUNK), np.float32)
    for j in range(_NK):
        s = min(j * _QPC, _NPIL - _XW)
        blocks[j] = e[s:s + _XW, j * _KCHUNK:(j + 1) * _KCHUNK]
    return blocks


def _time_interp_matrix() -> np.ndarray:
    tnorm = np.clip((np.arange(_NB_SYMB) - 2.0) / 9.0, 0.0, 1.0)
    w = np.zeros((_NB_SYMB * _BBLK, 2 * _BBLK), np.float32)
    for b in range(_BBLK):
        for s in range(_NB_SYMB):
            w[_NB_SYMB * b + s, 2 * b] = 1.0 - tnorm[s]
            w[_NB_SYMB * b + s, 2 * b + 1] = tnorm[s]
    return w


_E2 = _freq_interp_blocks()
_W = _time_interp_matrix()


def _body(x_ref, e_ref, w_ref, o_ref):
    w = w_ref[...]
    for j in range(_NK):
        sj = min(j * _QPC, _NPIL - _XW)
        xc = x_ref[:, sj:sj + _XW]
        hf = jax.lax.dot(
            xc, e_ref[j],
            precision=jax.lax.Precision.DEFAULT,
            preferred_element_type=jnp.float32,
        )
        oc = jax.lax.dot(
            w, hf,
            precision=jax.lax.Precision.DEFAULT,
            preferred_element_type=jnp.float32,
        )
        o_ref[:, j * _KCHUNK:(j + 1) * _KCHUNK] = oc


@jax.jit
def kernel(inputs):
    b = inputs.shape[0]
    xs = inputs.reshape(2 * b, _NPIL)
    e2 = jnp.asarray(_E2)
    w = jnp.asarray(_W)
    out2 = pl.pallas_call(
        _body,
        grid=(b // _BBLK,),
        in_specs=[
            pl.BlockSpec((2 * _BBLK, _NPIL), lambda i: (i, 0)),
            pl.BlockSpec((_NK, _XW, _KCHUNK), lambda i: (0, 0, 0)),
            pl.BlockSpec((_NB_SYMB * _BBLK, 2 * _BBLK), lambda i: (0, 0)),
        ],
        out_specs=pl.BlockSpec((_NB_SYMB * _BBLK, _FFT), lambda i: (i, 0)),
        out_shape=jax.ShapeDtypeStruct((b * _NB_SYMB, _FFT), inputs.dtype),
        compiler_params=pltpu.CompilerParams(
            dimension_semantics=("parallel",),
        ),
    )(xs, e2, w)
    return out2.reshape(b, _NB_SYMB, _FFT)

# --- scband reference (transcript-rebuilt; emitter-appended) ---
"""Pipeline reference for scband-linear-interpolator-39960375722143 (READ-ONLY COPY).

The authoritative reference and input builder live on the scoring server;
editing this copy changes nothing except your own understanding.
"""

import jax, jax.numpy as jnp
import numpy as np

NB_SYMB = 14
FFT = 4096
PILOT_SYMBS = np.array([2, 11])
SPACING = 4
BATCH = 256
NUM_PILOTS = PILOT_SYMBS.size * (FFT // SPACING)


def _build_interp():
    mask = np.zeros((NB_SYMB, FFT), np.int32)
    for s in PILOT_SYMBS:
        mask[s, ::SPACING] = 1
    pos = np.argwhere(mask == 1)
    p_symb = pos[:, 0].astype(np.int32)
    p_sc = pos[:, 1].astype(np.int32)
    uniq, counts = np.unique(p_symb, return_counts=True)
    nb_u = uniq.size
    fidx = np.empty((2, nb_u, FFT), np.int32)
    fnorm = np.empty((nb_u, FFT), np.float32)
    first = 0
    for r in range(nb_u):
        cnt = counts[r]
        scs = p_sc[first:first + cnt]
        first += cnt
        if scs[0] != 0:
            fidx[:, r, :scs[0]] = scs[0]
            fnorm[r, :scs[0]] = 0.0
        fidx[:, r, scs[-1]:] = scs[-1]
        fnorm[r, scs[-1]:] = 0.0
        for i in range(scs.size - 1):
            a, b = int(scs[i]), int(scs[i + 1])
            fidx[0, r, a:b] = a
            fidx[1, r, a:b] = b
            fnorm[r, a:b] = np.arange(b - a) / (b - a)
    tidx = np.empty((2, NB_SYMB), np.int32)
    tnorm = np.empty(NB_SYMB, np.float32)
    if uniq[0] != 0:
        tidx[:, :uniq[0]] = uniq[0]
        tnorm[:uniq[0]] = 0.0
    tidx[:, uniq[-1]:] = uniq[-1]
    tnorm[uniq[-1]:] = 0.0
    for i in range(uniq.size - 1):
        a, b = int(uniq[i]), int(uniq[i + 1])
        tidx[0, a:b] = a
        tidx[1, a:b] = b
        tnorm[a:b] = np.arange(b - a) / (b - a)
    trow = np.searchsorted(uniq, tidx).astype(np.int32)
    return p_symb, p_sc, uniq.astype(np.int32), fidx, fnorm, trow, tnorm


def setup_inputs(seed: int = 0):
    key = jax.random.key(seed)
    inputs = jax.random.normal(key, (BATCH, NUM_PILOTS), dtype=jnp.float32)
    return {"inputs": inputs}


def reference(inputs):
    # Faithful reconstruction of LinearInterpolator.call:
    # 1) scatter pilot channel estimates into the full OFDM grid
    # 2) linear interpolation in frequency within each pilot-bearing symbol
    # 3) linear interpolation in time across pilot-bearing symbols
    p_symb, p_sc, uniq, fidx, fnorm, trow, tnorm = _build_interp()
    B = inputs.shape[0]
    updates = inputs.T  # [P, B]
    grid = jnp.zeros((NB_SYMB, FFT, B), inputs.dtype)
    grid = grid.at[jnp.asarray(p_symb), jnp.asarray(p_sc)].set(updates)
    pil = jnp.take(grid, jnp.asarray(uniq), axis=0)  # [nb_u, FFT, B]
    h0 = jnp.take_along_axis(pil, jnp.asarray(fidx[0])[:, :, None], axis=1)
    h1 = jnp.take_along_axis(pil, jnp.asarray(fidx[1])[:, :, None], axis=1)
    hf = (h1 - h0) * jnp.asarray(fnorm)[:, :, None] + h0  # [nb_u, FFT, B]
    ht0 = jnp.take(hf, jnp.asarray(trow[0]), axis=0)  # [NB_SYMB, FFT, B]
    ht1 = jnp.take(hf, jnp.asarray(trow[1]), axis=0)
    h = (ht1 - ht0) * jnp.asarray(tnorm)[:, None, None] + ht0
    return jnp.transpose(h, (2, 0, 1))  # [B, NB_SYMB, FFT]

if __name__ == "__main__":
    import jax
    _d = setup_inputs()
    print(jax.jit(kernel)(*tuple(_d.values())))

</pallas_src>

<mosaic_0001>
module attributes {stable_mosaic.version = 14 : i64} {
  func.func @_body(%arg0: i32, %arg1: memref<32x1024xf32, #tpu.memory_space<vmem>>, %arg2: memref<8x256x512xf32, #tpu.memory_space<vmem>>, %arg3: memref<224x32xf32, #tpu.memory_space<vmem>>, %arg4: memref<224x4096xf32, #tpu.memory_space<vmem>>) attributes {dimension_semantics = [#tpu.dimension_semantics<parallel>], iteration_bounds = array<i64: 16>, scalar_prefetch = 0 : i64, scratch_operands = 0 : i64, tpu.core_type = #tpu.core_type<tc>, window_params = [{transform_indices = @transform_0, window_bounds = array<i64: 32, 1024>}, {pipeline_mode = #tpu.pipeline_mode<synchronous>, transform_indices = @transform_1, window_bounds = array<i64: 8, 256, 512>}, {pipeline_mode = #tpu.pipeline_mode<synchronous>, transform_indices = @transform_2, window_bounds = array<i64: 224, 32>}, {transform_indices = @transform_3, window_bounds = array<i64: 224, 4096>}]} {
    %get3A = arith.constant 0 : index
    %get3A_0 = arith.constant 0 : index
    %get3A_1 = vector.load %arg3[%get3A, %get3A_0] : memref<224x32xf32, #tpu.memory_space<vmem>>, vector<224x32xf32>
    %get3A_2 = arith.constant 0 : index
    %get3A_3 = arith.constant 0 : index
    %get3A_4 = vector.load %arg1[%get3A_2, %get3A_3] : memref<32x1024xf32, #tpu.memory_space<vmem>>, vector<32x256xf32>
    %get3A_5 = arith.constant 0 : index
    %get3A_6 = arith.constant 0 : index
    %get3A_7 = arith.constant 0 : index
    %get3A_8 = vector.load %arg2[%get3A_5, %get3A_6, %get3A_7] : memref<8x256x512xf32, #tpu.memory_space<vmem>>, vector<1x256x512xf32>
    %get3A_9 = vector.shape_cast %get3A_8 : vector<1x256x512xf32> to vector<256x512xf32>
    %dot_general3A = arith.constant dense<0.000000e+00> : vector<32x512xf32>
    %dot_general3A_10 = tpu.matmul %get3A_4, %get3A_9, %dot_general3A {dimension_numbers = #tpu.dot_dimension_numbers<[1], [0], [0], [1], [0, 0, 1, 1], [], []>, transpose_lhs_hint = false} : vector<32x256xf32>, vector<256x512xf32>, vector<32x512xf32> -> vector<32x512xf32>
    %dot_general3A_11 = arith.constant dense<0.000000e+00> : vector<224x512xf32>
    %dot_general3A_12 = tpu.matmul %get3A_1, %dot_general3A_10, %dot_general3A_11 {dimension_numbers = #tpu.dot_dimension_numbers<[1], [0], [0], [1], [0, 0, 1, 1], [], []>, transpose_lhs_hint = false} : vector<224x32xf32>, vector<32x512xf32>, vector<224x512xf32> -> vector<224x512xf32>
    %swap3A = arith.constant 0 : index
    %swap3A_13 = arith.constant 0 : index
    %swap3A_14 = vector.load %arg4[%swap3A, %swap3A_13] : memref<224x4096xf32, #tpu.memory_space<vmem>>, vector<224x512xf32>
    tpu.vector_store %arg4[%swap3A, %swap3A_13], %dot_general3A_12 {strides = array<i32>} : memref<224x4096xf32, #tpu.memory_space<vmem>>, vector<224x512xf32>,
    %get3A_15 = arith.constant 0 : index
    %get3A_16 = arith.constant 128 : index
    %get3A_17 = vector.load %arg1[%get3A_15, %get3A_16] : memref<32x1024xf32, #tpu.memory_space<vmem>>, vector<32x256xf32>
    %get3A_18 = arith.constant 1 : index
    %get3A_19 = arith.constant 0 : index
    %get3A_20 = arith.constant 0 : index
    %get3A_21 = vector.load %arg2[%get3A_18, %get3A_19, %get3A_20] : memref<8x256x512xf32, #tpu.memory_space<vmem>>, vector<1x256x512xf32>
    %get3A_22 = vector.shape_cast %get3A_21 : vector<1x256x512xf32> to vector<256x512xf32>
    %dot_general3A_23 = arith.constant dense<0.000000e+00> : vector<32x512xf32>
    %dot_general3A_24 = tpu.matmul %get3A_17, %get3A_22, %dot_general3A_23 {dimension_numbers = #tpu.dot_dimension_numbers<[1], [0], [0], [1], [0, 0, 1, 1], [], []>, transpose_lhs_hint = false} : vector<32x256xf32>, vector<256x512xf32>, vector<32x512xf32> -> vector<32x512xf32>
    %dot_general3A_25 = arith.constant dense<0.000000e+00> : vector<224x512xf32>
    %dot_general3A_26 = tpu.matmul %get3A_1, %dot_general3A_24, %dot_general3A_25 {dimension_numbers = #tpu.dot_dimension_numbers<[1], [0], [0], [1], [0, 0, 1, 1], [], []>, transpose_lhs_hint = false} : vector<224x32xf32>, vector<32x512xf32>, vector<224x512xf32> -> vector<224x512xf32>
    %swap3A_27 = arith.constant 0 : index
    %swap3A_28 = arith.constant 512 : index
    %swap3A_29 = vector.load %arg4[%swap3A_27, %swap3A_28] : memref<224x4096xf32, #tpu.memory_space<vmem>>, vector<224x512xf32>
    tpu.vector_store %arg4[%swap3A_27, %swap3A_28], %dot_general3A_26 {strides = array<i32>} : memref<224x4096xf32, #tpu.memory_space<vmem>>, vector<224x512xf32>,
    %get3A_30 = arith.constant 0 : index
    %get3A_31 = arith.constant 256 : index
    %get3A_32 = vector.load %arg1[%get3A_30, %get3A_31] : memref<32x1024xf32, #tpu.memory_space<vmem>>, vector<32x256xf32>
    %get3A_33 = arith.constant 2 : index
    %get3A_34 = arith.constant 0 : index
    %get3A_35 = arith.constant 0 : index
    %get3A_36 = vector.load %arg2[%get3A_33, %get3A_34, %get3A_35] : memref<8x256x512xf32, #tpu.memory_space<vmem>>, vector<1x256x512xf32>
    %get3A_37 = vector.shape_cast %get3A_36 : vector<1x256x512xf32> to vector<256x512xf32>
    %dot_general3A_38 = arith.constant dense<0.000000e+00> : vector<32x512xf32>
    %dot_general3A_39 = tpu.matmul %get3A_32, %get3A_37, %dot_general3A_38 {dimension_numbers = #tpu.dot_dimension_numbers<[1], [0], [0], [1], [0, 0, 1, 1], [], []>, transpose_lhs_hint = false} : vector<32x256xf32>, vector<256x512xf32>, vector<32x512xf32> -> vector<32x512xf32>
    %dot_general3A_40 = arith.constant dense<0.000000e+00> : vector<224x512xf32>
    %dot_general3A_41 = tpu.matmul %get3A_1, %dot_general3A_39, %dot_general3A_40 {dimension_numbers = #tpu.dot_dimension_numbers<[1], [0], [0], [1], [0, 0, 1, 1], [], []>, transpose_lhs_hint = false} : vector<224x32xf32>, vector<32x512xf32>, vector<224x512xf32> -> vector<224x512xf32>
    %swap3A_42 = arith.constant 0 : index
    %swap3A_43 = arith.constant 1024 : index
    %swap3A_44 = vector.load %arg4[%swap3A_42, %swap3A_43] : memref<224x4096xf32, #tpu.memory_space<vmem>>, vector<224x512xf32>
    tpu.vector_store %arg4[%swap3A_42, %swap3A_43], %dot_general3A_41 {strides = array<i32>} : memref<224x4096xf32, #tpu.memory_space<vmem>>, vector<224x512xf32>,
    %get3A_45 = arith.constant 0 : index
    %get3A_46 = arith.constant 384 : index
    %get3A_47 = vector.load %arg1[%get3A_45, %get3A_46] : memref<32x1024xf32, #tpu.memory_space<vmem>>, vector<32x256xf32>
    %get3A_48 = arith.constant 3 : index
    %get3A_49 = arith.constant 0 : index
    %get3A_50 = arith.constant 0 : index
    %get3A_51 = vector.load %arg2[%get3A_48, %get3A_49, %get3A_50] : memref<8x256x512xf32, #tpu.memory_space<vmem>>, vector<1x256x512xf32>
    %get3A_52 = vector.shape_cast %get3A_51 : vector<1x256x512xf32> to vector<256x512xf32>
    %dot_general3A_53 = arith.constant dense<0.000000e+00> : vector<32x512xf32>
    %dot_general3A_54 = tpu.matmul %get3A_47, %get3A_52, %dot_general3A_53 {dimension_numbers = #tpu.dot_dimension_numbers<[1], [0], [0], [1], [0, 0, 1, 1], [], []>, transpose_lhs_hint = false} : vector<32x256xf32>, vector<256x512xf32>, vector<32x512xf32> -> vector<32x512xf32>
    %dot_general3A_55 = arith.constant dense<0.000000e+00> : vector<224x512xf32>
    %dot_general3A_56 = tpu.matmul %get3A_1, %dot_general3A_54, %dot_general3A_55 {dimension_numbers = #tpu.dot_dimension_numbers<[1], [0], [0], [1], [0, 0, 1, 1], [], []>, transpose_lhs_hint = false} : vector<224x32xf32>, vector<32x512xf32>, vector<224x512xf32> -> vector<224x512xf32>
    %swap3A_57 = arith.constant 0 : index
    %swap3A_58 = arith.constant 1536 : index
    %swap3A_59 = vector.load %arg4[%swap3A_57, %swap3A_58] : memref<224x4096xf32, #tpu.memory_space<vmem>>, vector<224x512xf32>
    tpu.vector_store %arg4[%swap3A_57, %swap3A_58], %dot_general3A_56 {strides = array<i32>} : memref<224x4096xf32, #tpu.memory_space<vmem>>, vector<224x512xf32>,
    %get3A_60 = arith.constant 0 : index
    %get3A_61 = arith.constant 512 : index
    %get3A_62 = vector.load %arg1[%get3A_60, %get3A_61] : memref<32x1024xf32, #tpu.memory_space<vmem>>, vector<32x256xf32>
    %get3A_63 = arith.constant 4 : index
    %get3A_64 = arith.constant 0 : index
    %get3A_65 = arith.constant 0 : index
    %get3A_66 = vector.load %arg2[%get3A_63, %get3A_64, %get3A_65] : memref<8x256x512xf32, #tpu.memory_space<vmem>>, vector<1x256x512xf32>
    %get3A_67 = vector.shape_cast %get3A_66 : vector<1x256x512xf32> to vector<256x512xf32>
    %dot_general3A_68 = arith.constant dense<0.000000e+00> : vector<32x512xf32>
    %dot_general3A_69 = tpu.matmul %get3A_62, %get3A_67, %dot_general3A_68 {dimension_numbers = #tpu.dot_dimension_numbers<[1], [0], [0], [1], [0, 0, 1, 1], [], []>, transpose_lhs_hint = false} : vector<32x256xf32>, vector<256x512xf32>, vector<32x512xf32> -> vector<32x512xf32>
    %dot_general3A_70 = arith.constant dense<0.000000e+00> : vector<224x512xf32>
    %dot_general3A_71 = tpu.matmul %get3A_1, %dot_general3A_69, %dot_general3A_70 {dimension_numbers = #tpu.dot_dimension_numbers<[1], [0], [0], [1], [0, 0, 1, 1], [], []>, transpose_lhs_hint = false} : vector<224x32xf32>, vector<32x512xf32>, vector<224x512xf32> -> vector<224x512xf32>
    %swap3A_72 = arith.constant 0 : index
    %swap3A_73 = arith.constant 2048 : index
    %swap3A_74 = vector.load %arg4[%swap3A_72, %swap3A_73] : memref<224x4096xf32, #tpu.memory_space<vmem>>, vector<224x512xf32>
    tpu.vector_store %arg4[%swap3A_72, %swap3A_73], %dot_general3A_71 {strides = array<i32>} : memref<224x4096xf32, #tpu.memory_space<vmem>>, vector<224x512xf32>,
    %get3A_75 = arith.constant 0 : index
    %get3A_76 = arith.constant 640 : index
    %get3A_77 = vector.load %arg1[%get3A_75, %get3A_76] : memref<32x1024xf32, #tpu.memory_space<vmem>>, vector<32x256xf32>
    %get3A_78 = arith.constant 5 : index
    %get3A_79 = arith.constant 0 : index
    %get3A_80 = arith.constant 0 : index
    %get3A_81 = vector.load %arg2[%get3A_78, %get3A_79, %get3A_80] : memref<8x256x512xf32, #tpu.memory_space<vmem>>, vector<1x256x512xf32>
    %get3A_82 = vector.shape_cast %get3A_81 : vector<1x256x512xf32> to vector<256x512xf32>
    %dot_general3A_83 = arith.constant dense<0.000000e+00> : vector<32x512xf32>
    %dot_general3A_84 = tpu.matmul %get3A_77, %get3A_82, %dot_general3A_83 {dimension_numbers = #tpu.dot_dimension_numbers<[1], [0], [0], [1], [0, 0, 1, 1], [], []>, transpose_lhs_hint = false} : vector<32x256xf32>, vector<256x512xf32>, vector<32x512xf32> -> vector<32x512xf32>
    %dot_general3A_85 = arith.constant dense<0.000000e+00> : vector<224x512xf32>
    %dot_general3A_86 = tpu.matmul %get3A_1, %dot_general3A_84, %dot_general3A_85 {dimension_numbers = #tpu.dot_dimension_numbers<[1], [0], [0], [1], [0, 0, 1, 1], [], []>, transpose_lhs_hint = false} : vector<224x32xf32>, vector<32x512xf32>, vector<224x512xf32> -> vector<224x512xf32>
    %swap3A_87 = arith.constant 0 : index
    %swap3A_88 = arith.constant 2560 : index
    %swap3A_89 = vector.load %arg4[%swap3A_87, %swap3A_88] : memref<224x4096xf32, #tpu.memory_space<vmem>>, vector<224x512xf32>
    tpu.vector_store %arg4[%swap3A_87, %swap3A_88], %dot_general3A_86 {strides = array<i32>} : memref<224x4096xf32, #tpu.memory_space<vmem>>, vector<224x512xf32>,
    %get3A_90 = arith.constant 0 : index
    %get3A_91 = arith.constant 768 : index
    %get3A_92 = vector.load %arg1[%get3A_90, %get3A_91] : memref<32x1024xf32, #tpu.memory_space<vmem>>, vector<32x256xf32>
    %get3A_93 = arith.constant 6 : index
    %get3A_94 = arith.constant 0 : index
    %get3A_95 = arith.constant 0 : index
    %get3A_96 = vector.load %arg2[%get3A_93, %get3A_94, %get3A_95] : memref<8x256x512xf32, #tpu.memory_space<vmem>>, vector<1x256x512xf32>
    %get3A_97 = vector.shape_cast %get3A_96 : vector<1x256x512xf32> to vector<256x512xf32>
    %dot_general3A_98 = arith.constant dense<0.000000e+00> : vector<32x512xf32>
    %dot_general3A_99 = tpu.matmul %get3A_92, %get3A_97, %dot_general3A_98 {dimension_numbers = #tpu.dot_dimension_numbers<[1], [0], [0], [1], [0, 0, 1, 1], [], []>, transpose_lhs_hint = false} : vector<32x256xf32>, vector<256x512xf32>, vector<32x512xf32> -> vector<32x512xf32>
    %dot_general3A_100 = arith.constant dense<0.000000e+00> : vector<224x512xf32>
    %dot_general3A_101 = tpu.matmul %get3A_1, %dot_general3A_99, %dot_general3A_100 {dimension_numbers = #tpu.dot_dimension_numbers<[1], [0], [0], [1], [0, 0, 1, 1], [], []>, transpose_lhs_hint = false} : vector<224x32xf32>, vector<32x512xf32>, vector<224x512xf32> -> vector<224x512xf32>
    %swap3A_102 = arith.constant 0 : index
    %swap3A_103 = arith.constant 3072 : index
    %swap3A_104 = vector.load %arg4[%swap3A_102, %swap3A_103] : memref<224x4096xf32, #tpu.memory_space<vmem>>, vector<224x512xf32>
    tpu.vector_store %arg4[%swap3A_102, %swap3A_103], %dot_general3A_101 {strides = array<i32>} : memref<224x4096xf32, #tpu.memory_space<vmem>>, vector<224x512xf32>,
    %get3A_105 = arith.constant 0 : index
    %get3A_106 = arith.constant 768 : index
    %get3A_107 = vector.load %arg1[%get3A_105, %get3A_106] : memref<32x1024xf32, #tpu.memory_space<vmem>>, vector<32x256xf32>
    %get3A_108 = arith.constant 7 : index
    %get3A_109 = arith.constant 0 : index
    %get3A_110 = arith.constant 0 : index
    %get3A_111 = vector.load %arg2[%get3A_108, %get3A_109, %get3A_110] : memref<8x256x512xf32, #tpu.memory_space<vmem>>, vector<1x256x512xf32>
    %get3A_112 = vector.shape_cast %get3A_111 : vector<1x256x512xf32> to vector<256x512xf32>
    %dot_general3A_113 = arith.constant dense<0.000000e+00> : vector<32x512xf32>
    %dot_general3A_114 = tpu.matmul %get3A_107, %get3A_112, %dot_general3A_113 {dimension_numbers = #tpu.dot_dimension_numbers<[1], [0], [0], [1], [0, 0, 1, 1], [], []>, transpose_lhs_hint = false} : vector<32x256xf32>, vector<256x512xf32>, vector<32x512xf32> -> vector<32x512xf32>
    %dot_general3A_115 = arith.constant dense<0.000000e+00> : vector<224x512xf32>
    %dot_general3A_116 = tpu.matmul %get3A_1, %dot_general3A_114, %dot_general3A_115 {dimension_numbers = #tpu.dot_dimension_numbers<[1], [0], [0], [1], [0, 0, 1, 1], [], []>, transpose_lhs_hint = false} : vector<224x32xf32>, vector<32x512xf32>, vector<224x512xf32> -> vector<224x512xf32>
    %swap3A_117 = arith.constant 0 : index
    %swap3A_118 = arith.constant 3584 : index
    %swap3A_119 = vector.load %arg4[%swap3A_117, %swap3A_118] : memref<224x4096xf32, #tpu.memory_space<vmem>>, vector<224x512xf32>
    tpu.vector_store %arg4[%swap3A_117, %swap3A_118], %dot_general3A_116 {strides = array<i32>} : memref<224x4096xf32, #tpu.memory_space<vmem>>, vector<224x512xf32>,
    return
  }
  func.func @transform_0(%arg0: i32) -> (i32, i32) {
    %c0_i32 = arith.constant 0 : i32
    %c0_i32_0 = arith.constant 0 : i32
    return %arg0, %c0_i32 : i32, i32
  }
  func.func @transform_1(%arg0: i32) -> (i32, i32, i32) {
    %c0_i32 = arith.constant 0 : i32
    %c0_i32_0 = arith.constant 0 : i32
    %c0_i32_1 = arith.constant 0 : i32
    %c0_i32_2 = arith.constant 0 : i32
    return %c0_i32, %c0_i32_0, %c0_i32_1 : i32, i32, i32
  }
  func.func @transform_2(%arg0: i32) -> (i32, i32) {
    %c0_i32 = arith.constant 0 : i32
    %c0_i32_0 = arith.constant 0 : i32
    %c0_i32_1 = arith.constant 0 : i32
    return %c0_i32, %c0_i32_0 : i32, i32
  }
  func.func @transform_3(%arg0: i32) -> (i32, i32) {
    %c0_i32 = arith.constant 0 : i32
    %c0_i32_0 = arith.constant 0 : i32
    return %arg0, %c0_i32 : i32, i32
  }
}

</mosaic_0001>

<sc_bundles>
// kernel: sparse-core-data-format-call.cloned.1.call-start
scs
called_computation_lowered:
.L_overlay_start_0:
0x0: {  	s2 =	sld [smem:$0x3FD9]  }
0x1: {  	s3 =	sld [smem:$0x3FFE];
	_ =	sdelay $0x1  }
0x2: {  	s1 =	srdreg.scid  }
0x3: {  	s0 =	sand.u32 $0x1, s1  }
0x4: {  	s18 =	sshll.u32 s0, $0xA;
	s2 =	sadd.s32 s3, s2  }
0x5: {  	s2 =	sadd.s32 s2, s18  }
0x6: {  	[smem:$0x3FC7] =	sst s2  }
0x7: {  	_ = 	snop  }
0x8: {  	s2 =	sld [smem:$0x3FD0];
	(tm) =	ssettm $0x1  }
0x9: {  	s19 =	sld [smem:$0x3FFB];
	_ =	sdelay $0x3  }
0xa: {  	_ =	strace s19  }
0xb: {  	s3 =	sld [smem:$0x3FFC];
	_ =	sdelay $0x3  }
0xc: {  	_ =	strace s3  }
0xd: {  	s3 =	sld [smem:$0x3FFD];
	_ =	sdelay $0x3  }
0xe: {  	_ =	strace s3  }
0xf: {  	_ =	strace $0x8FFFFFFF  }
0x10: {  	s20 =	sld [smem:$0x3FDB];
	_ =	sdelay $0x1  }
0x11: {  	s4 =	simm.s32 $_scs_section_size  }
0x12: {  	s5 =	simm.s32 $_size__tile_overlayer_lowered;
	s6 =	simm.s32 $_tile_overlayer_lowered  }
0x13: {  	s23 =	simm.s32 $0x1BFF;
	s22 =	sshll.u32 s6, $0x1;
	s3 =	sadd.s32 s4, s20  }
0x14: {  	s7 =	simm.s32 $0x0;
	s21 =	sshll.u32 s5, $0x1;
	s5 =	sadd.s32 s22, s3  }
0x15: {  	[timem:s7], [sflag:s23] =	dma.local [hbm:s5], s21  }
0x16: {  	_ =	swait.ge [sflag:s23], s21  }
0x17: {  	s4 =	ssub.s32 $0x0, s21;
	[sflag:s23] =	ssyncset.done $0x0  }
0x18: {  	[sflag:s23] =	ssyncadd.s32 s4;
	_ =	sdelay $0x1  }
0x19: {  	s24 =	simm.s32 $0x1B8B  }
0x1a: {  	_ =	swait.ge [sflag:s24], $0x1  }
0x1b: {  	[sflag:s24] =	ssyncset.done $0x0  }
0x1c: {  	s26 =	simm.s32 $0x1B8E;
	s25 =	sld [smem:$0x3FFE];
	[sflag:s24] =	ssyncadd.s32 $0xFFFFFFFF  }
0x1d: {  	s27 =	simm.s32 $execute0_lowered;
	[smem:$0x3FD2] =	sst s26  }
0x1e: {  	s5 =	sshll.u32 s27, $0x1;
	_ =	strace $0x80000046;
	[dreg:$0x1] =	wrdreg $0xFFFFFFFF  }
0x1f: {  	s28 =	simm.s32 $_size_execute0_lowered;
	s3 =	sadd.s32 s3, s5;
	[dreg:$0x0] =	wrdreg $0x0  }
0x20: {  	s5 =	sshll.u32 s28, $0x1;
	[dreg:$0x2] =	wrdreg s3  }
0x21: {  	[dreg:$0x3] =	wrdreg s5  }
0x22: {  	[dreg:$0x4] =	wrdreg $0xC0  }
0x23: {  	_ =	task [dreg:s7], $0x5FFFF  }
0x24: {  	[dreg:$0x1] =	wrdreg $0xFFFFFFFF  }
0x25: {  	[dreg:$0x0] =	wrdreg $0x60  }
0x26: {  	[dreg:$0x2] =	wrdreg s25  }
0x27: {  	[dreg:$0x3] =	wrdreg s2  }
0x28: {  	[dreg:$0x4] =	wrdreg $0x9  }
0x29: {  	_ =	task.clear_ibuf [dreg:s7], $0x5FFFF;
	_ =	strace $0x90000046  }
0x2a: {  	s29 =	simm.s32 $0x9;
	_ =	strace $0x80000048  }
0x2b: {  	_ =	swait.ge [sflag:s29], $0x1  }
0x2c: {  	[sflag:s29] =	ssyncadd.s32 $0xFFFFFFFF  }
0x2d: {  	_ =	strace $0x90000048  }
0x2e: {  	_ =	sfence  }
0x2f: {  	s30 =	sld [smem:$0x0];
	_ =	sdelay $0x2  }
0x30: {  	s31 =	sshll.u32 s1, $0xD;
	s1 =	sshrl.u32 s1, $0x2  }
0x31: {  	s3 =	sand.u32 $0x4000, s31;
	s1 =	sadd.s32 s1, s30  }
0x32: {  	s0 =	sor.u32 s3, s0;
	s1 =	sshll.u32 s1, $0x11  }
0x33: {  	s0 =	sor.u32 s1, s0  }
0x34: {  	s0 =	sadd.s32 $0x8F2B, s0  }
0x35: {  	[sflag:s0] =	ssyncadd.remote.s32 $0x1  }
0x36: {  	_ =	sfence.sel $0xFFFF  }
0x37: {  	[dreg:$0x0] =	wrdreg $0xFFFFFFFF;
	(pc) =	sbr.abs _section_cstart, $3  }
0x38: {  	[dreg:$0x1] =	wrdreg $0xFFFFFFFF  }
0x39: {  	_ =	task.clear_ibuf [dreg:s7], $0x2FFFF;
	_ =	strace $0x9FFFFFFF  }
0x3a: {  	(tm) =	ssettm $0x7FFFFFFF  }
0x3b: {  	_ =	shalt  }
tec
execute0_lowered:
.L_overlay_start_1:
0x0: {  	(tag) =	ssettag $0x1  }
0x1: {  	s0 =	stileid.u32;
	s1 =	srdreg.scid  }
0x2: {  	s2 =	sshll.u32 s0, $0x6;
	s1 =	sshll.u32 s1, $0xA  }
0x3: {  	s3 =	sshll.u32 s0, $0x7;
	s2 =	sor.u32 s2, s1  }
0x4: {  	s7 =	rddreg [dreg:$0x0];
	s1 =	sand.u32 $0x80, s3;
	s2 =	sand.u32 $0x780, s2  }
0x5: {  	s8 =	simm.s32 $0x2;
	s3 =	ssub.s32 $0x100, s1;
	s4 =	ssub.s32 $0x1000, s2  }
0x6: {  	s15 =	simm.s32 $0x0;
	s5 =	sshrl.u32 s3, $0x8;
	s6 =	sand.u32 $0x780, s4  }
0x7: {  	s3 =	sshrl.u32 s3, $0x7;
	p0 =	sne.s32 s6, $0x0;
	s6 =	simm.s32 $0x1  }
0x8: {  	s3 =	sand.u32 $0x1, s3;
	s4 =	sshrl.u32 s4, $0xB;
	s6 =	simm.s32 @!p0 $0x0  }
0x9: {  	s9 =	simm.s32 $0x8000;
	s3 =	sadd.s32 s5, s3;
	s31 =	sadd.s32 s6, s4  }
0xa: {  	s10 =	simm.s32 $0x0;
	s16 =	simm.s32 $0x0;
	s6 =	smul.u32 s31, s3  }
.Ltmp0:
0xb: {  	s17 =	simm.s32 $0x0;
	s12 =	simm.s32 $0x0;
	(pc) =	sbr.rel .LBB1_1-.Ltmp0, $4  }
0xc: {  	s14 =	simm.s32 $0x0;
	s5 =	simm.s32 $0x1;
	s4 =	rddreg [dreg:$0x1]  }
0xd: {  	s3 =	rddreg [dreg:$0x2];
	_ =	strace $0x80000047;
	s6 =	smul.u32 $0xE, s6  }
0xe: {  	s7 =	sadd.s32 $0x800, s7;
	s13 =	smov.u32 s1;
	[sflag:s5] =	ssyncpa.u1 $0x0  }
0xf: {  	s11 =	smov.u32 s2;
	[sflag:s8] =	ssyncpa.u1 $0x0;
	s8 =	sor.u32 $0x1, s6  }
.LBB1_4:
0x10: {  	_ =	sdelay $0x3  }
0x11: {  	[tilespmem:v0+s20+$0xFFFFFFD0 ss:$0x1] =	vst.idx.msk $0xffff, v6  }
0x12: {  	v56 =	vld.idx.msk [tilespmem:v1+s19+$0x0 ss:$0x1], $0xffff;
	[tilespmem:v0+s20+$0xFFFFFFE0 ss:$0x1] =	vst.idx.msk $0xffff, v4  }
0x13: {  	v57 =	vld.idx.msk [tilespmem:v1+s19+$0xFFFFFF90 ss:$0x1], $0xffff;
	[tilespmem:v0+s20+$0xFFFFFFF0 ss:$0x1] =	vst.idx.msk $0xffff, v2  }
0x14: {  	v58 =	vld.idx.msk [tilespmem:v1+s19+$0xFFFFFFA0 ss:$0x1], $0xffff;
	[tilespmem:v0+s20+$0x0 ss:$0x1] =	vst.idx.msk $0xffff, v3  }
0x15: {  	v59 =	vld.idx.msk [tilespmem:v1+s19+$0xFFFFFFB0 ss:$0x1], $0xffff;
	[tilespmem:v0+s20+$0x10 ss:$0x1] =	vst.idx.msk $0xffff, v5  }
0x16: {  	v60 =	vld.idx.msk [tilespmem:v1+s19+$0xFFFFFFC0 ss:$0x1], $0xffff;
	[tilespmem:v0+s20+$0x20 ss:$0x1] =	vst.idx.msk $0xffff, v7  }
0x17: {  	v61 =	vld.idx.msk [tilespmem:v1+s19+$0xFFFFFFD0 ss:$0x1], $0xffff;
	[tilespmem:v0+s19+$0x30 ss:$0x1] =	vst.idx.msk $0xffff, v56  }
0x18: {  	v62 =	vld.idx.msk [tilespmem:v1+s19+$0xFFFFFFE0 ss:$0x1], $0xffff;
	s27 =	sand.u32 $0x78, s15;
	s21 =	sshll.u32 s17, $0xC;
	s28 =	sshll.u32 s17, $0x7;
	[tilespmem:v0+s19+$0xFFFFFFC0 ss:$0x1] =	vst.idx.msk $0xffff, v57  }
0x19: {  	v63 =	vld.idx.msk [tilespmem:v1+s19+$0xFFFFFFF0 ss:$0x1], $0xffff;
	s22 =	sshll.u32 s15, $0x3;
	s16 =	sshll.u32 s16, $0x11;
	s21 =	sand.u32 $0xF8000, s21;
	[tilespmem:v0+s19+$0xFFFFFFD0 ss:$0x1] =	vst.idx.msk $0xffff, v58  }
0x1a: {  	s31 =	sand.u32 $0x7, s15;
	s17 =	sand.u32 $0x380, s28;
	s29 =	sadd.s32 s21, s22;
	[tilespmem:v0+s19+$0xFFFFFFE0 ss:$0x1] =	vst.idx.msk $0xffff, v59  }
0x1b: {  	s30 =	sand.u32 $0xC00, s22;
	s17 =	sor.u32 s17, s27;
	s20 =	sshrl.u32 s29, $0x3;
	[tilespmem:v0+s19+$0xFFFFFFF0 ss:$0x1] =	vst.idx.msk $0xffff, v60  }
0x1c: {  	s16 =	sadd.s32 s4, s16;
	s17 =	sor.u32 s30, s17;
	s20 =	sand.u32 $0x1FE00, s20;
	[tilespmem:v0+s19+$0x0 ss:$0x1] =	vst.idx.msk $0xffff, v61  }
0x1d: {  	s15 =	sshll.u32 s31, $0x12;
	s17 =	sshrl.u32 s17, $0x3;
	[tilespmem:v0+s19+$0x10 ss:$0x1] =	vst.idx.msk $0xffff, v62;
	s16 =	sadd.s32 s20, s16  }
0x1e: {  	s15 =	sor.u32 $0x400, s15;
	[tilespmem:v0+s19+$0x20 ss:$0x1] =	vst.idx.msk $0xffff, v63;
	s16 =	sadd.s32 s17, s16  }
0x1f: {  	[hbm4b:s16+s15] =	stream.strided.scatter [tilespmem:s18], [sflag:$0x2], $0x4000, s9, s15, $0x38;
	[tilespmem:$0x10000] =	vst v63  }
.LBB1_5:
0x20: {  	s18 =	sadd.s32 $0x800, s11  }
0x21: {  	s15 =	simm.s32 $0x1;
	p1 =	sgt.s32 s18, $0xFFF  }
0x22: {  	s15 =	simm.s32 @!p1 $0x0  }
0x23: {  	s19 =	sadd.s32 s15, s12  }
0x24: {  	s21 =	smov.u32 s13;
	s15 =	sadd.s32 $0x100, s13;
	p2 =	sgt.s32 s19, $0xD  }
0x25: {  	s21 =	smov.u32 @p2 s15  }
0x26: {  	p0 =	slt.u32 s14, $0x2;
	s18 =	smov.u32 @p1 s2;
	p1 =	sgt.s32 s21, $0xFF  }
0x27: {  	s20 =	simm.s32 @!p0 $0x2;
	s21 =	smov.u32 @p1 s1;
	p1 =	sne.s32 s14, s8  }
.Ltmp1:
0x28: {  	_ =	swait.ge @!p0 [sflag:s20], $0x4000;
	(pc) =	sbr.rel @!p1 .LBB1_6-.Ltmp1, $4  }
0x29: {  	s16 =	smov.u32 s12;
	[sflag:s20] =	ssyncset.done @!p0 $0x0  }
0x2a: {  	s17 =	smov.u32 s13;
	s10 =	sadd.s32 $0x4000, s10;
	[sflag:s20] =	ssyncadd.s32 @!p0 $0xFFFFC000  }
0x2b: {  	s19 =	simm.s32 @p2 $0x0;
	s15 =	smov.u32 s11;
	s11 =	smov.u32 s18  }
0x2c: {  	s12 =	smov.u32 s19;
	s14 =	sadd.s32 $0x1, s14;
	s13 =	smov.u32 s21  }
.LBB1_1:
0x2d: {  	p0 =	sge.u32 s14, s6;
	s31 =	sadd.s32 $0xFFFFFFFF, s14  }
0x2e: {  	s18 =	sxor.u32 @!p0 $0xFFFFFFFF, s14;
	s19 =	sand.u32 @!p0 $0x78, s11;
	s20 =	sshll.u32 @!p0 s12, $0xC  }
0x2f: {  	s21 =	sshll.u32 @!p0 s12, $0x7;
	s22 =	sshll.u32 @!p0 s11, $0x3;
	s18 =	sshll.u32 @!p0 s18, $0xE  }
0x30: {  	s20 =	sand.u32 @!p0 $0x8000, s20;
	s21 =	sand.u32 @!p0 $0x380, s21;
	s18 =	sand.u32 @!p0 $0x4000, s18  }
0x31: {  	s20 =	sadd.s32 @!p0 s20, s22;
	s22 =	sand.u32 @!p0 $0xC00, s22;
	s19 =	sor.u32 @!p0 s21, s19  }
0x32: {  	s21 =	sshll.u32 @!p0 s13, $0xD;
	s19 =	sor.u32 @!p0 s22, s19;
	s20 =	sshrl.u32 @!p0 s20, $0x3  }
0x33: {  	s21 =	sadd.s32 @!p0 s7, s21;
	s22 =	sand.u32 @!p0 $0x7, s11;
	s20 =	sand.u32 @!p0 $0x1E00, s20  }
0x34: {  	s19 =	sshrl.u32 @!p0 s19, $0x3;
	s20 =	sadd.s32 @!p0 s20, s21;
	s21 =	sshll.u32 @!p0 s22, $0x12  }
0x35: {  	s19 =	sadd.s32 @!p0 s19, s20;
	s20 =	sor.u32 @!p0 $0x80, s21;
	s21 =	simm.s32 @!p0 $0x10000  }
0x36: {  	[tilespmem:s18], [sflag:$0x1] =	stream.strided.gather @!p0 [hbm4b:s19+s20], $0x4000, s21, s20, $0x38;
	[tilespmem:$0x10000] =	vst v63  }
0x37: {  	p0 =	sge.u32 s31, s6  }
.Ltmp2:
0x38: {  	_ = 	snop;
	(pc) =	sbr.rel @p0 .LBB1_5-.Ltmp2, $1  }
0x39: {  	_ =	sdelay $0x3  }
0x3a: {  	s18 =	sand.u32 $0x4000, s10  }
0x3b: {  	s19 =	sor.u32 $0x70, s18  }
0x3c: {  	v1 =	vmov s19;
	_ =	sdelay $0x1  }
0x3d: {  	_ =	swait.ge [sflag:s5], $0x4000  }
0x3e: {  	[sflag:s5] =	ssyncset.done $0x0  }
0x3f: {  	s20 =	simm.s32 $0x0;
	[sflag:s5] =	ssyncadd.s32 $0xFFFFC000  }
0x40: {  	s18 =	sor.u32 $0x8040, s18;
	v7 =	vld.idx.msk [tilespmem:v1+s20+$0x0 ss:$0x1], $0xffff  }
0x41: {  	v0 =	vmov s18;
	v8 =	vld.idx.msk [tilespmem:v1+s20+$0xFFFFFF90 ss:$0x1], $0xffff  }
0x42: {  	v6 =	vld.idx.msk [tilespmem:v1+s20+$0xFFFFFFA0 ss:$0x1], $0xffff  }
0x43: {  	v4 =	vld.idx.msk [tilespmem:v1+s20+$0xFFFFFFB0 ss:$0x1], $0xffff  }
0x44: {  	v2 =	vld.idx.msk [tilespmem:v1+s20+$0xFFFFFFC0 ss:$0x1], $0xffff  }
0x45: {  	s31 =	sshll.u32 s14, $0xE;
	v3 =	vld.idx.msk [tilespmem:v1+s20+$0xFFFFFFD0 ss:$0x1], $0xffff  }
0x46: {  	s18 =	sand.u32 $0x4000, s31;
	v5 =	vld.idx.msk [tilespmem:v1+s20+$0xFFFFFFE0 ss:$0x1], $0xffff;
	[tilespmem:v0+s20+$0x30 ss:$0x1] =	vst.idx.msk $0xffff, v7  }
0x47: {  	s21 =	simm.s32 $0x400;
	s19 =	simm.s32 $0x80;
	s18 =	sor.u32 $0x8000, s18;
	[tilespmem:v0+s20+$0xFFFFFFC0 ss:$0x1] =	vst.idx.msk $0xffff, v8;
	v7 =	vld.idx.msk [tilespmem:v1+s20+$0xFFFFFFF0 ss:$0x1], $0xffff  }
.LBB1_3:
0x48: {  	p0 =	sne.s32 s21, $0xFE00;
	v8 =	vld.idx.msk [tilespmem:v1+s19+$0x0 ss:$0x1], $0xffff;
	[tilespmem:v0+s20+$0xFFFFFFD0 ss:$0x1] =	vst.idx.msk $0xffff, v6  }
0x49: {  	v9 =	vld.idx.msk [tilespmem:v1+s19+$0xFFFFFF90 ss:$0x1], $0xffff;
	[tilespmem:v0+s20+$0xFFFFFFE0 ss:$0x1] =	vst.idx.msk $0xffff, v4  }
0x4a: {  	v6 =	vld.idx.msk [tilespmem:v1+s19+$0xFFFFFFA0 ss:$0x1], $0xffff;
	[tilespmem:v0+s20+$0xFFFFFFF0 ss:$0x1] =	vst.idx.msk $0xffff, v2  }
.Ltmp3:
0x4b: {  	v4 =	vld.idx.msk [tilespmem:v1+s19+$0xFFFFFFB0 ss:$0x1], $0xffff;
	[tilespmem:v0+s20+$0x0 ss:$0x1] =	vst.idx.msk $0xffff, v3;
	(pc) =	sbr.rel @p0 .LBB1_3-.Ltmp3, $4  }
0x4c: {  	v2 =	vld.idx.msk [tilespmem:v1+s19+$0xFFFFFFC0 ss:$0x1], $0xffff;
	[tilespmem:v0+s20+$0x10 ss:$0x1] =	vst.idx.msk $0xffff, v5  }
0x4d: {  	v3 =	vld.idx.msk [tilespmem:v1+s19+$0xFFFFFFD0 ss:$0x1], $0xffff;
	[tilespmem:v0+s20+$0x20 ss:$0x1] =	vst.idx.msk $0xffff, v7;
	s20 =	smov.u32 s19  }
0x4e: {  	v5 =	vld.idx.msk [tilespmem:v1+s20+$0xFFFFFFE0 ss:$0x1], $0xffff;
	[tilespmem:v0+s20+$0x30 ss:$0x1] =	vst.idx.msk $0xffff, v8  }
0x4f: {  	s19 =	sshra.s32 s21, $0x2;
	s21 =	sadd.s32 $0x200, s21;
	[tilespmem:v0+s20+$0xFFFFFFC0 ss:$0x1] =	vst.idx.msk $0xffff, v9;
	v7 =	vld.idx.msk [tilespmem:v1+s20+$0xFFFFFFF0 ss:$0x1], $0xffff  }
.Ltmp4:
0x50: {  	_ = 	snop;
	(pc) =	sbr.rel .LBB1_4-.Ltmp4, $1  }
0x51: {  	_ =	sdelay $0x3  }
.LBB1_6:
0x52: {  	_ =	sfence.sel $0x180000  }
0x53: {  	s1 =	simm.s32 $0x1;
	[bflag:$0x0] =	sbarrier.arrive $0xFFFF  }
0x54: {  	s31 =	simm.s32 $0x2;
	[sflag:s1] =	ssyncpa.u1 $0x1  }
0x55: {  	[sflag:s31] =	ssyncpa.u1 $0x1  }
0x56: {  	p0 =	sne.s32 s0, $0x0;
	_ =	strace $0x90000047  }
0x57: {  	s0 =	sadd.s32 @!p0 $0x100000, s3;
	[bflag:$0x2] =	sbarrier.arrive $0xFFFF  }
0x58: {  	[sflag:s0] =	ssyncadd.tile.s32 @!p0 $0x1;
	_ =	shalt  }
.Lfunc_end1:
_tile_overlayer_lowered:
.L_overlay_start_2:
0x59: {  	(tag) =	ssettag $0x2  }
0x5a: {  	s0 =	rddreg [dreg:$0x0];
	s2 =	stileid.u32  }
0x5b: {  	s1 =	rddreg [dreg:$0x1];
	p0 =	sne.s32 s2, $0x0  }
0x5c: {  	s3 =	rddreg [dreg:$0x2];
	[bflag:$0x3] =	sbarrier.arrive $0xFFFF;
	s2 =	simm.s32 @!p0 $0x1C01  }
0x5d: {  	[timem:s3], [sflag:s2] =	dma.local @!p0 [hbm:s0], s1  }
0x5e: {  	s0 =	simm.s32 @!p0 $0x1  }
0x5f: {  	_ =	swait.ge @!p0 [sflag:s0], s1  }
0x60: {  	s1 =	ssub.s32 @!p0 $0x0, s1;
	[sflag:s0] =	ssyncset.done @!p0 $0x0  }
0x61: {  	[sflag:s0] =	ssyncadd.s32 @!p0 s1  }
0x62: {  	[bflag:$0x3] =	sbarrier.arrive $0xFFFF  }
0x63: {  	_ =	shalt  }

</sc_bundles>
